<compile_context>
chip_gen: v7x
topology: tpu7x:2x2x1
jax: 0.10.2.dev20260603
libtpu: 0.0.44.dev20260713+nightly
codegen_flags: <defaults>
</compile_context>

<pallas_src>
import functools

import jax
import jax.numpy as jnp
from jax.experimental import pallas as pl
from jax.experimental.pallas import tpu as pltpu
from jax.experimental.pallas import tpu_sc as plsc

T = 64
D = 1024
E = 64
DM = 512
DS = 512

NBUF = 4


def _router_kernel(x_ref, gw_ref, tk_ref, wfull_ref):
    x = x_ref[...]
    gw = gw_ref[...]
    logits = jax.lax.dot_general(
        x, gw, (((1,), (1,)), ((), ())), preferred_element_type=jnp.float32)
    m = jnp.max(logits, axis=1, keepdims=True)
    p = jnp.exp(logits - m)
    p = p / jnp.sum(p, axis=1, keepdims=True)
    lane = jax.lax.broadcasted_iota(jnp.int32, (T, E), 1)
    m1 = jnp.max(p, axis=1, keepdims=True)
    i1 = jnp.min(jnp.where(p >= m1, lane, E), axis=1, keepdims=True)
    oh1 = lane == i1
    p2 = jnp.where(oh1, -1.0, p)
    m2 = jnp.max(p2, axis=1, keepdims=True)
    i2 = jnp.min(jnp.where(p2 >= m2, lane, E), axis=1, keepdims=True)
    oh2 = lane == i2
    sden = m1 + m2 + 1e-20
    wfull = jnp.where(oh1, m1 / sden, 0.0) + jnp.where(oh2, m2 / sden, 0.0)
    wfull_ref[...] = wfull.astype(jnp.float32)
    tr = jax.lax.broadcasted_iota(jnp.int32, (T, T), 0)
    tc = jax.lax.broadcasted_iota(jnp.int32, (T, T), 1)
    ident = (tr == tc).astype(jnp.float32)
    i1r = jax.lax.dot_general(
        i1.astype(jnp.float32), ident, (((0,), (0,)), ((), ())),
        preferred_element_type=jnp.float32)
    i2r = jax.lax.dot_general(
        i2.astype(jnp.float32), ident, (((0,), (0,)), ((), ())),
        preferred_element_type=jnp.float32)
    tk_ref[0:1, :] = i1r.astype(jnp.int32)
    tk_ref[1:2, :] = i2r.astype(jnp.int32)


def _sc_compact(tk_hbm, out_hbm, tkbuf, mask, ids, sem):
    cid = jax.lax.axis_index("c")

    @pl.when(cid == 0)
    def _():
        pltpu.async_copy(tk_hbm, tkbuf, sem).wait()

        @pl.loop(0, E)
        def _(e):
            mask[e] = 0

        @pl.loop(0, 2 * T)
        def _(k):
            mask[tkbuf[k]] = 1

        ids[E] = 0

        @pl.loop(0, E)
        def _(e):
            c = ids[E]

            @pl.when(mask[e] == 1)
            def _():
                ids[c] = e
                ids[E] = c + 1

        nv = ids[E]
        last = ids[nv - 1]

        @pl.loop(0, E)
        def _(j):
            @pl.when(j >= nv)
            def _():
                ids[j] = last

        pltpu.async_copy(ids, out_hbm, sem).wait()


@jax.jit
def _sc_compact_call(tk):
    kfn = pl.kernel(
        _sc_compact,
        out_type=jax.ShapeDtypeStruct((E + 1,), jnp.int32),
        mesh=plsc.ScalarSubcoreMesh(axis_name="c", num_cores=2),
        scratch_types=[
            pltpu.SMEM((2 * T,), jnp.int32),
            pltpu.SMEM((E,), jnp.int32),
            pltpu.SMEM((E + 1,), jnp.int32),
            pltpu.SemaphoreType.DMA,
        ],
    )
    return kfn(tk)


def _moe_kernel(info_ref, x_ref, wfull_ref, segw_ref, gup_hbm, dp_hbm,
                sg_hbm, su_hbm, sd_hbm, out_ref,
                gbuf, ubuf, dbuf, sgbuf, subuf, sdbuf, esem, ssem):
    n = info_ref[E]

    def issue(j):
        e = info_ref[j]
        s = jax.lax.rem(j, NBUF)
        pltpu.make_async_copy(
            gup_hbm.at[e, pl.ds(0, DM)], gbuf.at[s], esem.at[s, 0]).start()
        pltpu.make_async_copy(
            gup_hbm.at[e, pl.ds(DM, DM)], ubuf.at[s], esem.at[s, 1]).start()
        pltpu.make_async_copy(dp_hbm.at[e], dbuf.at[s], esem.at[s, 2]).start()

    def wait(j):
        e = info_ref[j]
        s = jax.lax.rem(j, NBUF)
        pltpu.make_async_copy(
            gup_hbm.at[e, pl.ds(0, DM)], gbuf.at[s], esem.at[s, 0]).wait()
        pltpu.make_async_copy(
            gup_hbm.at[e, pl.ds(DM, DM)], ubuf.at[s], esem.at[s, 1]).wait()
        pltpu.make_async_copy(dp_hbm.at[e], dbuf.at[s], esem.at[s, 2]).wait()

    for k in range(NBUF - 1):
        @pl.when(k < n)
        def _():
            issue(k)
    pltpu.make_async_copy(sg_hbm, sgbuf, ssem.at[0]).start()
    pltpu.make_async_copy(su_hbm, subuf, ssem.at[1]).start()
    pltpu.make_async_copy(sd_hbm, sdbuf, ssem.at[2]).start()

    x = x_ref[...]
    wf = wfull_ref[...]

    pltpu.make_async_copy(sg_hbm, sgbuf, ssem.at[0]).wait()
    pltpu.make_async_copy(su_hbm, subuf, ssem.at[1]).wait()
    pltpu.make_async_copy(sd_hbm, sdbuf, ssem.at[2]).wait()
    g = jax.lax.dot_general(
        x, sgbuf[...], (((1,), (1,)), ((), ())),
        preferred_element_type=jnp.float32)
    u = jax.lax.dot_general(
        x, subuf[...], (((1,), (1,)), ((), ())),
        preferred_element_type=jnp.float32)
    h = jax.nn.silu(g) * u
    sh = jax.lax.dot_general(
        h, sdbuf[...], (((1,), (1,)), ((), ())),
        preferred_element_type=jnp.float32)
    gl = jax.lax.dot_general(
        x, segw_ref[...], (((1,), (1,)), ((), ())),
        preferred_element_type=jnp.float32)
    out_ref[...] = jax.nn.sigmoid(gl) * sh

    lane = jax.lax.broadcasted_iota(jnp.int32, (T, E), 1)

    def body(j, _):
        @pl.when(j + NBUF - 1 < n)
        def _():
            issue(j + NBUF - 1)
        wait(j)
        s = jax.lax.rem(j, NBUF)
        g = jax.lax.dot_general(
            x, gbuf[s], (((1,), (1,)), ((), ())),
            preferred_element_type=jnp.float32)
        u = jax.lax.dot_general(
            x, ubuf[s], (((1,), (1,)), ((), ())),
            preferred_element_type=jnp.float32)
        h = jax.nn.silu(g) * u
        y = jax.lax.dot_general(
            h, dbuf[s], (((1,), (1,)), ((), ())),
            preferred_element_type=jnp.float32)
        e = info_ref[j]
        wcol = jnp.sum(jnp.where(lane == e, wf, 0.0),
                       axis=1, keepdims=True)
        out_ref[...] += y * wcol
        return 0

    jax.lax.fori_loop(0, n, body, 0)


@functools.partial(jax.jit, static_argnames=())
def kernel(hidden_states, gate_w, gate_up_proj, down_proj,
           shared_gate_proj, shared_up_proj, shared_down_proj,
           shared_expert_gate_w):
    b, s, d = hidden_states.shape
    x = hidden_states.reshape(T, D)

    tk, wfull = pl.pallas_call(
        _router_kernel,
        out_shape=(
            jax.ShapeDtypeStruct((2, T), jnp.int32),
            jax.ShapeDtypeStruct((T, E), jnp.float32),
        ),
    )(x, gate_w)

    info = _sc_compact_call(tk.reshape(2 * T))

    out = pl.pallas_call(
        _moe_kernel,
        grid_spec=pltpu.PrefetchScalarGridSpec(
            num_scalar_prefetch=1,
            grid=(1,),
            in_specs=[
                pl.BlockSpec((T, D), lambda i, info: (0, 0)),
                pl.BlockSpec((T, E), lambda i, info: (0, 0)),
                pl.BlockSpec((1, D), lambda i, info: (0, 0)),
                pl.BlockSpec(memory_space=pltpu.MemorySpace.HBM),
                pl.BlockSpec(memory_space=pltpu.MemorySpace.HBM),
                pl.BlockSpec(memory_space=pltpu.MemorySpace.HBM),
                pl.BlockSpec(memory_space=pltpu.MemorySpace.HBM),
                pl.BlockSpec(memory_space=pltpu.MemorySpace.HBM),
            ],
            out_specs=pl.BlockSpec((T, D), lambda i, info: (0, 0)),
            scratch_shapes=[
                pltpu.VMEM((NBUF, DM, D), jnp.float32),
                pltpu.VMEM((NBUF, DM, D), jnp.float32),
                pltpu.VMEM((NBUF, D, DM), jnp.float32),
                pltpu.VMEM((DS, D), jnp.float32),
                pltpu.VMEM((DS, D), jnp.float32),
                pltpu.VMEM((D, DS), jnp.float32),
                pltpu.SemaphoreType.DMA((NBUF, 3)),
                pltpu.SemaphoreType.DMA((3,)),
            ],
        ),
        out_shape=jax.ShapeDtypeStruct((T, D), jnp.float32),
    )(info, x, wfull, shared_expert_gate_w, gate_up_proj, down_proj,
      shared_gate_proj, shared_up_proj, shared_down_proj)

    return out.reshape(b, s, d)

# --- scband reference (transcript-rebuilt; emitter-appended) ---
"""Pipeline reference for scband-qwen3-6-sparse-moe-block-89764816486465 (READ-ONLY COPY).

The authoritative reference and input builder live on the scoring server;
editing this copy changes nothing except your own understanding.
"""

import jax, jax.numpy as jnp
import numpy as np

B, S, D = 64, 1, 1024
E, K = 64, 2
DM = 512  # moe_intermediate_size
DS = 512  # shared_expert_intermediate_size


def setup_inputs(seed: int = 0) -> dict:
    key = jax.random.key(seed)
    ks = jax.random.split(key, 8)
    inp = {}
    inp["hidden_states"] = jax.random.normal(ks[0], (B, S, D), dtype=jnp.float32)
    inp["gate_w"] = jax.random.normal(ks[1], (E, D), dtype=jnp.float32) * 0.02
    inp["gate_up_proj"] = jax.random.normal(ks[2], (E, 2 * DM, D), dtype=jnp.float32) * 0.02
    inp["down_proj"] = jax.random.normal(ks[3], (E, D, DM), dtype=jnp.float32) * 0.02
    inp["shared_gate_proj"] = jax.random.normal(ks[4], (DS, D), dtype=jnp.float32) * 0.02
    inp["shared_up_proj"] = jax.random.normal(ks[5], (DS, D), dtype=jnp.float32) * 0.02
    inp["shared_down_proj"] = jax.random.normal(ks[6], (D, DS), dtype=jnp.float32) * 0.02
    inp["shared_expert_gate_w"] = jax.random.normal(ks[7], (1, D), dtype=jnp.float32) * 0.02
    return inp


def reference(hidden_states, gate_w, gate_up_proj, down_proj,
              shared_gate_proj, shared_up_proj, shared_down_proj,
              shared_expert_gate_w):
    b, s, d = hidden_states.shape
    x = hidden_states.reshape(-1, d)
    # 1. router
    router_logits = x @ gate_w.T
    routing_weights = jax.nn.softmax(router_logits.astype(jnp.float32), axis=-1)
    topk_w, topk_i = jax.lax.top_k(routing_weights, K)
    # norm_topk_prob=True
    topk_w = topk_w / (topk_w.sum(axis=-1, keepdims=True) + 1e-20)
    topk_w = topk_w.astype(x.dtype)
    # shared expert (SwiGLU) + sigmoid scalar gate
    shared = (jax.nn.silu(x @ shared_gate_proj.T) * (x @ shared_up_proj.T)) @ shared_down_proj.T
    shared_gate = jax.nn.sigmoid(x @ shared_expert_gate_w.T)
    out = shared_gate * shared
    # routed experts: loop over experts, masked dense compute over tokens
    for e in range(E):
        sel = topk_i == e
        hit = sel.any(axis=-1)[:, None]
        w_e = jnp.sum(jnp.where(sel, topk_w, jnp.zeros_like(topk_w)),
                      axis=-1, keepdims=True)
        gu = x @ gate_up_proj[e].T
        gate, up = jnp.split(gu, 2, axis=-1)
        h_e = jax.nn.silu(gate) * up
        y_e = h_e @ down_proj[e].T
        out = jnp.where(hit, out + y_e * w_e, out)
    return out.reshape(b, s, d)

if __name__ == "__main__":
    import jax
    _d = setup_inputs()
    print(jax.jit(kernel)(*tuple(_d.values())))

</pallas_src>

<mosaic_0001>
#map = affine_map<(d0) -> (0)>
module attributes {stable_mosaic.version = 14 : i64} {
  func.func @_sc_compact(%arg0: i32, %arg1: memref<128xi32, #tpu.memory_space<hbm>>, %arg2: memref<65xi32, #tpu.memory_space<hbm>>, %arg3: memref<128xi32, #tpu.memory_space<smem>>, %arg4: memref<64xi32, #tpu.memory_space<smem>>, %arg5: memref<65xi32, #tpu.memory_space<smem>>, %arg6: memref<!tpu.dma_semaphore, #tpu.memory_space<semaphore_mem>>) attributes {dimension_semantics = [#tpu.dimension_semantics<core_parallel>], iteration_bounds = array<i64: 2>, scalar_prefetch = 0 : i64, scratch_operands = 4 : i64, tpu.core_type = #tpu.core_type<sc_scalar_subcore>, window_params = [{transform_indices = #map}, {transform_indices = #map}]} {
    %eq3A = arith.constant 0 : i32
    %eq3A_0 = arith.cmpi eq, %arg0, %eq3A : i32
    %convert_element_type3A = arith.extui %eq3A_0 : i1 to i32
    %cond3A = arith.constant 0 : i32
    %cond3A_1 = arith.cmpi ne, %convert_element_type3A, %cond3A : i32
    scf.if %cond3A_1 {
      tpu.enqueue_dma source(%arg1 : memref<128xi32, #tpu.memory_space<hbm>>) target(%arg3 : memref<128xi32, #tpu.memory_space<smem>>) target_semaphore(%arg6 : memref<!tpu.dma_semaphore, #tpu.memory_space<semaphore_mem>>)
      tpu.wait_dma2 semaphore(%arg6 : memref<!tpu.dma_semaphore, #tpu.memory_space<semaphore_mem>>) src(%arg1 : memref<128xi32, #tpu.memory_space<hbm>>) dst(%arg3 : memref<128xi32, #tpu.memory_space<smem>>)
      %scan3A = arith.constant 0 : i32
      %scan3A_2 = arith.constant 64 : i32
      %scan3A_3 = arith.addi %scan3A, %scan3A_2 : i32
      %scan3A_4 = arith.constant 1 : i32
      scf.for %scan3A_29 = %scan3A to %scan3A_3 step %scan3A_4  : i32 {
        %mul3A = arith.constant 1 : i32
        %mul3A_30 = arith.muli %scan3A_29, %mul3A : i32
        %add3A = arith.constant 0 : i32
        %add3A_31 = arith.addi %add3A, %mul3A_30 : i32
        %swap3A_32 = arith.constant 0 : i32
        %swap3A_33 = arith.index_cast %add3A_31 : i32 to index
        %swap3A_34 = memref.load %arg4[%swap3A_33] : memref<64xi32, #tpu.memory_space<smem>>
        memref.store %swap3A_32, %arg4[%swap3A_33] : memref<64xi32, #tpu.memory_space<smem>>
      }
      %scan3A_5 = arith.constant 64 : i32
      %scan3A_6 = arith.constant 0 : i32
      %scan3A_7 = arith.constant 128 : i32
      %scan3A_8 = arith.addi %scan3A_6, %scan3A_7 : i32
      %scan3A_9 = arith.constant 1 : i32
      scf.for %scan3A_29 = %scan3A_6 to %scan3A_8 step %scan3A_9  : i32 {
        %mul3A = arith.constant 1 : i32
        %mul3A_30 = arith.muli %scan3A_29, %mul3A : i32
        %add3A = arith.constant 0 : i32
        %add3A_31 = arith.addi %add3A, %mul3A_30 : i32
        %get3A_32 = arith.index_cast %add3A_31 : i32 to index
        %get3A_33 = memref.load %arg3[%get3A_32] : memref<128xi32, #tpu.memory_space<smem>>
        %swap3A_34 = arith.constant 1 : i32
        %swap3A_35 = arith.index_cast %get3A_33 : i32 to index
        %swap3A_36 = memref.load %arg4[%swap3A_35] : memref<64xi32, #tpu.memory_space<smem>>
        memref.store %swap3A_34, %arg4[%swap3A_35] : memref<64xi32, #tpu.memory_space<smem>>
      }
      %scan3A_10 = arith.constant 128 : i32
      %swap3A = arith.constant 0 : i32
      %swap3A_11 = arith.constant 64 : i32
      %swap3A_12 = arith.index_cast %swap3A_11 : i32 to index
      %swap3A_13 = memref.load %arg5[%swap3A_12] : memref<65xi32, #tpu.memory_space<smem>>
      memref.store %swap3A, %arg5[%swap3A_12] : memref<65xi32, #tpu.memory_space<smem>>
      %scan3A_14 = arith.constant 0 : i32
      %scan3A_15 = arith.constant 64 : i32
      %scan3A_16 = arith.addi %scan3A_14, %scan3A_15 : i32
      %scan3A_17 = arith.constant 1 : i32
      scf.for %scan3A_29 = %scan3A_14 to %scan3A_16 step %scan3A_17  : i32 {
        %mul3A = arith.constant 1 : i32
        %mul3A_30 = arith.muli %scan3A_29, %mul3A : i32
        %add3A = arith.constant 0 : i32
        %add3A_31 = arith.addi %add3A, %mul3A_30 : i32
        %get3A_32 = arith.constant 64 : i32
        %get3A_33 = arith.index_cast %get3A_32 : i32 to index
        %get3A_34 = memref.load %arg5[%get3A_33] : memref<65xi32, #tpu.memory_space<smem>>
        %get3A_35 = arith.index_cast %add3A_31 : i32 to index
        %get3A_36 = memref.load %arg4[%get3A_35] : memref<64xi32, #tpu.memory_space<smem>>
        %eq3A_37 = arith.constant 1 : i32
        %eq3A_38 = arith.cmpi eq, %get3A_36, %eq3A_37 : i32
        %convert_element_type3A_39 = arith.extui %eq3A_38 : i1 to i32
        %cond3A_40 = arith.constant 0 : i32
        %cond3A_41 = arith.cmpi ne, %convert_element_type3A_39, %cond3A_40 : i32
        scf.if %cond3A_41 {
          %swap3A_42 = arith.index_cast %get3A_34 : i32 to index
          %swap3A_43 = memref.load %arg5[%swap3A_42] : memref<65xi32, #tpu.memory_space<smem>>
          memref.store %add3A_31, %arg5[%swap3A_42] : memref<65xi32, #tpu.memory_space<smem>>
          %add3A_44 = arith.constant 1 : i32
          %add3A_45 = arith.addi %get3A_34, %add3A_44 : i32
          %swap3A_46 = arith.constant 64 : i32
          %swap3A_47 = arith.index_cast %swap3A_46 : i32 to index
          %swap3A_48 = memref.load %arg5[%swap3A_47] : memref<65xi32, #tpu.memory_space<smem>>
          memref.store %add3A_45, %arg5[%swap3A_47] : memref<65xi32, #tpu.memory_space<smem>>
        } else {
        }
      }
      %scan3A_18 = arith.constant 64 : i32
      %get3A = arith.constant 64 : i32
      %get3A_19 = arith.index_cast %get3A : i32 to index
      %get3A_20 = memref.load %arg5[%get3A_19] : memref<65xi32, #tpu.memory_space<smem>>
      %sub3A = arith.constant 1 : i32
      %sub3A_21 = arith.subi %get3A_20, %sub3A : i32
      %get3A_22 = arith.index_cast %sub3A_21 : i32 to index
      %get3A_23 = memref.load %arg5[%get3A_22] : memref<65xi32, #tpu.memory_space<smem>>
      %scan3A_24 = arith.constant 0 : i32
      %scan3A_25 = arith.constant 64 : i32
      %scan3A_26 = arith.addi %scan3A_24, %scan3A_25 : i32
      %scan3A_27 = arith.constant 1 : i32
      scf.for %scan3A_29 = %scan3A_24 to %scan3A_26 step %scan3A_27  : i32 {
        %mul3A = arith.constant 1 : i32
        %mul3A_30 = arith.muli %scan3A_29, %mul3A : i32
        %add3A = arith.constant 0 : i32
        %add3A_31 = arith.addi %add3A, %mul3A_30 : i32
        %ge3A = arith.cmpi sge, %add3A_31, %get3A_20 : i32
        %convert_element_type3A_32 = arith.extui %ge3A : i1 to i32
        %cond3A_33 = arith.constant 0 : i32
        %cond3A_34 = arith.cmpi ne, %convert_element_type3A_32, %cond3A_33 : i32
        scf.if %cond3A_34 {
          %swap3A_35 = arith.index_cast %add3A_31 : i32 to index
          %swap3A_36 = memref.load %arg5[%swap3A_35] : memref<65xi32, #tpu.memory_space<smem>>
          memref.store %get3A_23, %arg5[%swap3A_35] : memref<65xi32, #tpu.memory_space<smem>>
        } else {
        }
      }
      %scan3A_28 = arith.constant 64 : i32
      tpu.enqueue_dma source(%arg5 : memref<65xi32, #tpu.memory_space<smem>>) target(%arg2 : memref<65xi32, #tpu.memory_space<hbm>>) target_semaphore(%arg6 : memref<!tpu.dma_semaphore, #tpu.memory_space<semaphore_mem>>)
      tpu.wait_dma2 semaphore(%arg6 : memref<!tpu.dma_semaphore, #tpu.memory_space<semaphore_mem>>) src(%arg5 : memref<65xi32, #tpu.memory_space<smem>>) dst(%arg2 : memref<65xi32, #tpu.memory_space<hbm>>)
    } else {
    }
    return
  }
}

</mosaic_0001>

<sc_bundles>
// kernel: _sc_compact_call.3.cloned.1.call-start
scs
__scs_entry_jumppad:
0x0: {  	(pc) =	sbr.rel $0x88, $3  }
0x1: {  	(tag) =	ssettag $0x0;
	lr =	simm.s32 $0x1  }
0x2: {  	[smem:$0x3FA0] =	sst lr;
	_ =	strace $0xD0000000  }
0x3: {  	_ = 	snop  }
0x4: {  	_ = 	snop  }
0x5: {  	_ = 	snop  }
0x6: {  	_ = 	snop  }
0x7: {  	_ = 	snop  }
__scs_overlays_trampoline_lowered:
0x8: {  	[smem:$0x3FAF] =	sst s0  }
0x9: {  	[smem:$0x3FB0] =	sst s1  }
0xa: {  	[smem:$0x3FB1] =	sst s2  }
0xb: {  	[smem:$0x3FB2] =	sst s3  }
0xc: {  	[smem:$0x3FB3] =	sst s4  }
0xd: {  	[smem:$0x3FB4] =	sst s5  }
0xe: {  	[smem:$0x3FB5] =	sst s6  }
0xf: {  	[smem:$0x3FB6] =	sst s7  }
0x10: {  	[smem:$0x3FB7] =	sst s8  }
0x11: {  	[smem:$0x3FB8] =	sst s9;
	s0 =	simm.s32 @!p0 $0x0  }
0x12: {  	s1 =	sld [smem:$0x3F9E];
	s0 =	simm.s32 @p0 $0x1  }
0x13: {  	[smem:$0x3FB9] =	sst s0;
	s0 =	simm.s32 @!p1 $0x0  }
0x14: {  	s2 =	sld [smem:$0x3F9D];
	s0 =	simm.s32 @p1 $0x1  }
0x15: {  	[smem:$0x3FBA] =	sst s0;
	s0 =	simm.s32 @!p2 $0x0  }
0x16: {  	s3 =	sld [smem:$0x3FDB];
	s0 =	simm.s32 @p2 $0x1  }
0x17: {  	s4 =	simm.s32 $0x1BF5;
	[smem:$0x3FBC] =	sst s0  }
0x18: {  	s0 =	sld [smem:$0x3F9F];
	_ =	swait.ge [sflag:s4], $0x0  }
0x19: {  	s7 =	sld [smem:$0x3FA0]  }
0x1a: {  	s8 =	sadd.s32 $0xFFFFE003, lr  }
0x1b: {  	s9 =	sadd.s32 $0xFFFFFEF7, lr;
	s5 =	simm.s32 $0xFFFFFFFF;
	p2 =	slt.u32 s8, $0xFFFFF086  }
0x1c: {  	p1 =	slt.u32 s9, $0xF7A;
	s5 =	simm.s32 @!p2 $0x0  }
0x1d: {  	s5 =	simm.s32 @p1 $0x1;
	p0 =	seq.s32 s7, s2  }
0x1e: {  	s7 =	smul.u32 @!p0 $0xF7A, s2;
	p2 =	seq.s32 @!p0 s5, $0x0  }
0x1f: {  	s9 =	smul.u32 $0xF7A, s1;
	s8 =	simm.s32 @!p0 $0x1BF5;
	p2 =	por !p2, p0  }
0x20: {  	[sflag:s8] =	ssyncset.s32 @!p0 $0xFFFFF086;
	s6 =	sadd.s32 @!p0 s3, s7;
	s7 =	simm.s32 @!p0 $0x108  }
0x21: {  	s3 =	sadd.s32 s3, s9;
	s6 =	sadd.s32 @!p0 $0x88, s6;
	s7 =	simm.s32 @p2 $0x1082  }
0x22: {  	[simem:s7], [sflag:s8] =	dma.local @!p0 [hbm:s6], $0xF7A  }
0x23: {  	s9 =	sor.u32 $0xD0000000, s2;
	s6 =	simm.s32 $0x108;
	_ =	swait.ge @!p0 [sflag:s8], $0x0  }
0x24: {  	s3 =	sadd.s32 $0x88, s3;
	s6 =	simm.s32 @!p1 $0x1082;
	[sflag:s4] =	ssyncset.s32 $0xFFFFF086  }
0x25: {  	[simem:s6], [sflag:s4] =	dma.local [hbm:s3], $0xF7A  }
0x26: {  	[smem:$0x3FA0] =	sst s1;
	(tag) =	ssettag s2;
	_ =	strace s9  }
0x27: {  	s1 =	sld [smem:$0x3FB0]  }
0x28: {  	s2 =	sld [smem:$0x3FB1]  }
0x29: {  	s4 =	sld [smem:$0x3FB3]  }
0x2a: {  	p0 =	seq.s32 s5, $0x0;
	s5 =	sld [smem:$0x3FB4]  }
0x2b: {  	s6 =	sld [smem:$0x3FB5]  }
0x2c: {  	s7 =	sld [smem:$0x3FB6]  }
0x2d: {  	s3 =	simm.s32 $0x108;
	s8 =	sld [smem:$0x3FB7]  }
0x2e: {  	s3 =	simm.s32 @!p0 $0x1082;
	s9 =	sld [smem:$0x3FB8]  }
0x2f: {  	lr =	sadd.s32 s0, s3;
	s0 =	sld [smem:$0x3FAF]  }
0x30: {  	s3 =	sld [smem:$0x3FB2]  }
0x31: {  	[smem:$0x3FBB] =	sst s10  }
0x32: {  	s10 =	sld [smem:$0x3FB9];
	_ =	sdelay $0x3  }
0x33: {  	p0 =	seq.s32 s10, $0x1;
	s10 =	sld [smem:$0x3FBB];
	_ =	sdelay $0x3  }
0x34: {  	[smem:$0x3FBB] =	sst s10  }
0x35: {  	s10 =	sld [smem:$0x3FBA];
	_ =	sdelay $0x3  }
0x36: {  	p1 =	seq.s32 s10, $0x1;
	s10 =	sld [smem:$0x3FBB];
	_ =	sdelay $0x3  }
0x37: {  	[smem:$0x3FBB] =	sst s10  }
0x38: {  	s10 =	sld [smem:$0x3FBC]  }
0x39: {  	_ = 	snop;
	(pc) =	sbr.ind lr, $3  }
0x3a: {  	_ = 	snop  }
0x3b: {  	_ = 	snop  }
0x3c: {  	p2 =	seq.s32 s10, $0x1;
	s10 =	sld [smem:$0x3FBB]  }
0x3d: {  	_ =	shalt  }
0x3e: {  	_ =	shalt  }
0x3f: {  	_ =	shalt  }
0x40: {  	_ =	shalt  }
0x41: {  	_ =	shalt  }
0x42: {  	_ =	shalt  }
0x43: {  	_ =	shalt  }
0x44: {  	_ =	shalt  }
0x45: {  	_ =	shalt  }
0x46: {  	_ =	shalt  }
0x47: {  	_ =	shalt  }
0x48: {  	_ =	shalt  }
0x49: {  	_ =	shalt  }
0x4a: {  	_ =	shalt  }
0x4b: {  	_ =	shalt  }
0x4c: {  	_ =	shalt  }
0x4d: {  	_ =	shalt  }
0x4e: {  	_ =	shalt  }
0x4f: {  	_ =	shalt  }
0x50: {  	_ =	shalt  }
0x51: {  	_ =	shalt  }
0x52: {  	_ =	shalt  }
0x53: {  	_ =	shalt  }
0x54: {  	_ =	shalt  }
0x55: {  	_ =	shalt  }
0x56: {  	_ =	shalt  }
0x57: {  	_ =	shalt  }
0x58: {  	_ =	shalt  }
0x59: {  	_ =	shalt  }
0x5a: {  	_ =	shalt  }
0x5b: {  	_ =	shalt  }
0x5c: {  	_ =	shalt  }
0x5d: {  	_ =	shalt  }
0x5e: {  	_ =	shalt  }
0x5f: {  	_ =	shalt  }
0x60: {  	_ =	shalt  }
0x61: {  	_ =	shalt  }
0x62: {  	_ =	shalt  }
0x63: {  	_ =	shalt  }
0x64: {  	_ =	shalt  }
0x65: {  	_ =	shalt  }
0x66: {  	_ =	shalt  }
0x67: {  	_ =	shalt  }
0x68: {  	_ =	shalt  }
0x69: {  	_ =	shalt  }
0x6a: {  	_ =	shalt  }
0x6b: {  	_ =	shalt  }
0x6c: {  	_ =	shalt  }
0x6d: {  	_ =	shalt  }
0x6e: {  	_ =	shalt  }
0x6f: {  	_ =	shalt  }
0x70: {  	_ =	shalt  }
0x71: {  	_ =	shalt  }
0x72: {  	_ =	shalt  }
0x73: {  	_ =	shalt  }
0x74: {  	_ =	shalt  }
0x75: {  	_ =	shalt  }
0x76: {  	_ =	shalt  }
0x77: {  	_ =	shalt  }
0x78: {  	_ =	shalt  }
0x79: {  	_ =	shalt  }
0x7a: {  	_ =	shalt  }
0x7b: {  	_ =	shalt  }
0x7c: {  	_ =	shalt  }
0x7d: {  	_ =	shalt  }
0x7e: {  	_ =	shalt  }
0x7f: {  	_ =	shalt  }
0x80: {  	_ =	shalt  }
0x81: {  	_ =	shalt  }
0x82: {  	_ =	shalt  }
0x83: {  	_ =	shalt  }
0x84: {  	_ =	shalt  }
0x85: {  	_ =	shalt  }
0x86: {  	_ =	shalt  }
0x87: {  	_ =	shalt  }
.Lfunc_end0:
.L_simem_size_0:
called_computation_lowered:
.L_overlay_start_0:
0x88: {  	s2 =	sld [smem:$0x3FD9]  }
0x89: {  	s3 =	sld [smem:$0x3FFE];
	_ =	sdelay $0x1  }
0x8a: {  	s1 =	srdreg.scid  }
0x8b: {  	s0 =	sand.u32 $0x1, s1  }
0x8c: {  	s28 =	sshll.u32 s0, $0xA;
	s2 =	sadd.s32 s3, s2  }
0x8d: {  	s2 =	sadd.s32 s2, s28  }
0x8e: {  	[smem:$0x3FC7] =	sst s2  }
0x8f: {  	_ = 	snop  }
0x90: {  	s4 =	sld [smem:$0x3FC9]  }
0x91: {  	s2 =	sld [smem:$0x3FD0];
	(tm) =	ssettm $0x1  }
0x92: {  	s29 =	sld [smem:$0x3FFB];
	_ =	sdelay $0x3  }
0x93: {  	_ =	strace s29  }
0x94: {  	s3 =	sld [smem:$0x3FFC];
	_ =	sdelay $0x3  }
0x95: {  	_ =	strace s3  }
0x96: {  	s3 =	sld [smem:$0x3FFD];
	_ =	sdelay $0x3  }
0x97: {  	_ =	strace s3  }
0x98: {  	s30 =	simm.s32 $0x1B8B;
	_ =	strace $0x8FFFFFFF  }
0x99: {  	p0 =	seq.s32 s0, $0x1;
	_ =	swait.ge [sflag:s30], $0x1  }
.Ltmp0:
0x9a: {  	[sflag:s30] =	ssyncset.done $0x0;
	(pc) =	sbr.rel @p0 .LBB1_10-.Ltmp0, $3  }
0x9b: {  	s31 =	simm.s32 $0x1B8E;
	[sflag:s30] =	ssyncadd.s32 $0xFFFFFFFF  }
0x9c: {  	[smem:$0x3FD2] =	sst s31  }
0x9d: {  	_ =	strace $0x80000046  }
0x9e: {  	s3 =	simm.s32 $0x9;
	s5 =	simm.s32 $0x10  }
0x9f: {  	[smem:s5], [sflag:s3] =	dma.local [hbm:s4], $0x10  }
0xa0: {  	_ =	swait.ge [sflag:s3], $0x10  }
0xa1: {  	[sflag:s3] =	ssyncset.done $0x0  }
0xa2: {  	s4 =	simm.s32 $0x0;
	s5 =	simm.s32 $0x0;
	[sflag:s3] =	ssyncadd.s32 $0xFFFFFFF0  }
.LBB1_2:
0xa3: {  	p0 =	sne.s32 s5, $0xFC  }
.Ltmp1:
0xa4: {  	_ = 	snop;
	(pc) =	sbr.rel @p0 .LBB1_2-.Ltmp1, $3  }
0xa5: {  	_ = 	snop  }
0xa6: {  	s6 =	sshra.s32 s5, $0x2  }
0xa7: {  	s5 =	sadd.s32 $0x4, s5;
	[smem:s6+$0x90] =	sst s4  }
0xa8: {  	s4 =	simm.s32 $0x1;
	s5 =	simm.s32 $0x4;
	s6 =	sld [smem:$0x10]  }
.LBB1_4:
0xa9: {  	p0 =	sne.s32 s5, $0x1FC  }
.Ltmp2:
0xaa: {  	_ = 	snop;
	(pc) =	sbr.rel @p0 .LBB1_4-.Ltmp2, $3  }
0xab: {  	s7 =	sshra.s32 s5, $0x2  }
0xac: {  	s5 =	sadd.s32 $0x4, s5;
	[smem:s6+$0x90] =	sst s4  }
0xad: {  	s6 =	sld [smem:s7+$0x10]  }
0xae: {  	_ =	sdelay $0x2  }
0xaf: {  	[smem:s6+$0x90] =	sst s4;
	s4 =	simm.s32 $0x0  }
0xb0: {  	[smem:$0x150] =	sst s4  }
0xb1: {  	s5 =	sld [smem:$0x90];
	_ =	sdelay $0x3  }
0xb2: {  	s7 =	simm.s32 $0x91;
	p0 =	sne.s32 s5, $0x1  }
0xb3: {  	s6 =	simm.s32 $0x1;
	[smem:$0x110] =	sst @!p0 s4;
	s5 =	simm.s32 @!p0 $0x1  }
.LBB1_6:
0xb4: {  	s8 =	smov.u32 s4  }
0xb5: {  	s4 =	smov.u32 s5;
	[smem:$0x150] =	sst @!p0 s5  }
0xb6: {  	s4 =	smov.u32 @p0 s8;
	s5 =	smov.u32 s6;
	s6 =	sadd.s32 $0x1, s6  }
0xb7: {  	s8 =	sld [smem:s7+$0x0];
	p1 =	sne.s32 s6, $0x40;
	_ =	sdelay $0x1  }
.Ltmp3:
0xb8: {  	(pc) =	sbr.rel @p1 .LBB1_6-.Ltmp3, $3  }
0xb9: {  	_ = 	snop  }
0xba: {  	p0 =	sne.s32 s8, $0x1  }
0xbb: {  	s7 =	sadd.s32 $0x1, s7;
	[smem:s4+$0x110] =	sst @!p0 s5;
	s5 =	sadd.s32 @!p0 $0x1, s4  }
0xbc: {  	[smem:$0x150] =	sst @!p0 s5;
	s5 =	smov.u32 @p0 s4  }
0xbd: {  	s4 =	sld [smem:s5+$0x10F];
	_ =	sdelay $0x2  }
0xbe: {  	s6 =	simm.s32 $0x110;
	p0 =	sgt.s32 s5, $0x0  }
0xbf: {  	s7 =	simm.s32 $0x1;
	[smem:s6] =	sst @!p0 s4  }
.LBB1_8:
0xc0: {  	p0 =	slt.s32 s7, s5;
	s7 =	sadd.s32 $0x1, s7;
	s6 =	sadd.s32 $0x1, s6  }
0xc1: {  	[smem:s6] =	sst @!p0 s4;
	p0 =	sne.s32 s7, $0x40  }
.Ltmp4:
0xc2: {  	_ = 	snop;
	(pc) =	sbr.rel @p0 .LBB1_8-.Ltmp4, $1  }
0xc3: {  	_ =	sdelay $0x2  }
0xc4: {  	s4 =	simm.s32 $0x110;
	s31 =	simm.s32 $0x9  }
0xc5: {  	[hbm:s2], [sflag:s3] =	dma.local [smem:s4], $0x10  }
0xc6: {  	_ =	swait.ge [sflag:s31], $0x10  }
0xc7: {  	[sflag:s31] =	ssyncset.done $0x0  }
0xc8: {  	[sflag:s31] =	ssyncadd.s32 $0xFFFFFFF0  }
.LBB1_10:
0xc9: {  	_ =	strace $0x90000046  }
0xca: {  	_ =	sfence  }
0xcb: {  	s2 =	sld [smem:$0x0];
	_ =	sdelay $0x2  }
0xcc: {  	s3 =	sshll.u32 s1, $0xD;
	s31 =	sshrl.u32 s1, $0x2  }
0xcd: {  	s3 =	sand.u32 $0x4000, s3;
	s1 =	sadd.s32 s31, s2  }
0xce: {  	s0 =	sor.u32 s3, s0;
	s1 =	sshll.u32 s1, $0x11  }
0xcf: {  	s0 =	sor.u32 s1, s0  }
0xd0: {  	s0 =	sadd.s32 $0x8F2B, s0;
	(pc) =	sbr.abs _section_cstart, $3  }
0xd1: {  	[sflag:s0] =	ssyncadd.remote.s32 $0x1  }
0xd2: {  	_ =	strace $0x9FFFFFFF  }
0xd3: {  	(tm) =	ssettm $0x7FFFFFFF  }

</sc_bundles>
